<compile_context>
chip_gen: v7x
topology: tpu7x:2x2x1
jax: 0.10.2.dev20260603
libtpu: 0.0.44.dev20260713+nightly
codegen_flags: <defaults>
</compile_context>

<pallas_src>
import functools

import jax
import jax.numpy as jnp
from jax import lax
from jax.experimental import pallas as pl
from jax.experimental.pallas import tpu as pltpu
from jax.experimental.pallas import tpu_sc as plsc

_NC, _NS = 2, 16
_NW = _NC * _NS
_CH = 1000
_SUB = 1000


def _sc_gather(table, idx_flat):
    e_total = idx_flat.shape[0]
    f = table.shape[1]
    dt = table.dtype
    rows_per_w = e_total // _NW
    n_ch = rows_per_w // _CH
    n_sub = _CH // _SUB
    mesh = plsc.VectorSubcoreMesh(core_axis_name="c", subcore_axis_name="s",
                                  num_cores=_NC, num_subcores=_NS)

    @functools.partial(
        pl.kernel, mesh=mesh,
        out_type=jax.ShapeDtypeStruct((e_total, f), dt),
        scratch_types=[
            pltpu.VMEM((_CH,), jnp.int32),
            pltpu.VMEM((_CH, f), dt),
            pltpu.SemaphoreType.DMA,
            pltpu.SemaphoreType.DMA,
            pltpu.SemaphoreType.DMA,
        ],
    )
    def k(table_hbm, idx_hbm, out_hbm, idx_v0, rows_v0,
          isem, gsem, osem):
        wid = lax.axis_index("s") * _NC + lax.axis_index("c")
        base = wid * rows_per_w
        idx_vs = (idx_v0,)
        rows_vs = (rows_v0,)

        def idx_cp(i, slot):
            return pltpu.make_async_copy(
                idx_hbm.at[pl.ds(base + i * _CH, _CH)], idx_vs[slot], isem)

        def gather_cps(slot):
            return [pltpu.make_async_copy(
                table_hbm.at[idx_vs[slot].at[pl.ds(j * _SUB, _SUB)]],
                rows_vs[slot].at[pl.ds(j * _SUB, _SUB)], gsem)
                for j in range(n_sub)]

        def out_cp(i, slot):
            return pltpu.make_async_copy(
                rows_vs[slot], out_hbm.at[pl.ds(base + i * _CH, _CH)], osem)

        def body(i, carry):
            idx_cp(i, 0).start()
            idx_cp(i, 0).wait()
            copies = gather_cps(0)
            for cp in copies:
                cp.start()
            for cp in copies:
                cp.wait()
            out_cp(i, 0).start()
            out_cp(i, 0).wait()
            return carry

        lax.fori_loop(0, n_ch, body, 0)

    return k(table, idx_flat)


def _edge_preact(ag, a_blk, b3, ws, wn, wb, b, nb, m, dt=jnp.float32):
    two_f = ws.shape[1]
    bf = jnp.bfloat16
    s = jnp.dot(a_blk.astype(bf), ws, preferred_element_type=dt)
    ynb = jnp.dot(ag.astype(bf), wn, preferred_element_type=dt)
    q = jnp.dot(b3, wb, preferred_element_type=dt)
    s_exp = jnp.broadcast_to(s[:, None, :], (nb, m, two_f)).reshape(nb * m, two_f)
    return ynb + q + s_exp + b.astype(dt)


def _stats_body(nb, m, ag_ref, a_ref, b3_ref, ws_ref, wn_ref, wb_ref,
                b_ref, out_ref):
    y = _edge_preact(ag_ref[...], a_ref[...], b3_ref[...],
                     ws_ref[...], wn_ref[...], wb_ref[...], b_ref[...], nb, m)

    @pl.when(pl.program_id(0) == 0)
    def _():
        out_ref[...] = jnp.zeros_like(out_ref)

    ssum = jnp.sum(y, axis=0, keepdims=True)
    ssq = jnp.sum(y * y, axis=0, keepdims=True)
    out_ref[...] += jnp.concatenate([ssum, ssq], axis=0)


def _main_body(nb, m, e_total, stats_ref, ag_ref, a_ref, b3_ref, ws_ref,
               wn_ref, wb_ref, b_ref, g1_ref, b1_ref, out_ref):
    bf = jnp.bfloat16
    y = _edge_preact(ag_ref[...], a_ref[...], b3_ref[...],
                     ws_ref[...], wn_ref[...], wb_ref[...], b_ref[...], nb, m)
    stats = stats_ref[...]
    mean = stats[0:1, :] / e_total
    var = stats[1:2, :] / e_total - mean * mean
    inv = lax.rsqrt(var + 1e-5)
    s1 = inv * g1_ref[...]
    t1 = b1_ref[...] - mean * s1
    z = (y * s1 + t1).astype(bf)
    f = z.shape[1] // 2
    filt = jax.nn.sigmoid(z[:, :f])
    core = jax.nn.softplus(z[:, f:])
    p = (filt * core).astype(jnp.float32).reshape(nb, m, f)
    out_ref[...] = jnp.sum(p, axis=1)


def _final_body(a_ref, *rest):
    ps_refs = rest[:-3]
    g2_ref, b2_ref, out_ref = rest[-3:]
    x = jnp.concatenate([p[...] for p in ps_refs], axis=0)
    mean = jnp.mean(x, axis=0, keepdims=True)
    d = x - mean
    var = jnp.mean(d * d, axis=0, keepdims=True)
    z = d * lax.rsqrt(var + 1e-5) * g2_ref[...] + b2_ref[...]
    out_ref[...] = jax.nn.softplus(a_ref[...] + z)


_NB = 400


def _stats_call(ag, a_k, bf_k, ws, wn, wb, b, interpret=False):
    nk, f = a_k.shape
    e_k, hp = ag.shape
    m = e_k // nk
    two_f = ws.shape[1]
    de = bf_k.shape[1]
    r = _NB * m
    full = lambda shape: pl.BlockSpec(shape, lambda i: (0,) * len(shape))
    return pl.pallas_call(
        functools.partial(_stats_body, _NB, m),
        grid=(nk // _NB,),
        in_specs=[
            pl.BlockSpec((r, hp), lambda i: (i, 0)),
            pl.BlockSpec((_NB, f), lambda i: (i, 0)),
            pl.BlockSpec((r, de), lambda i: (i, 0)),
            full((f, two_f)), full((f, two_f)), full((de, two_f)),
            full((1, two_f)),
        ],
        out_specs=pl.BlockSpec((2, two_f), lambda i: (0, 0)),
        out_shape=jax.ShapeDtypeStruct((2, two_f), jnp.float32),
        interpret=interpret,
    )(ag, a_k, bf_k, ws, wn, wb, b)


def _main_call(stats, ag, a_k, bf_k, ws, wn, wb, b, g1, b1, e_total,
               interpret=False):
    nk, f = a_k.shape
    e_k, hp = ag.shape
    m = e_k // nk
    two_f = ws.shape[1]
    de = bf_k.shape[1]
    r = _NB * m
    full = lambda shape: pl.BlockSpec(shape, lambda i: (0,) * len(shape))
    return pl.pallas_call(
        functools.partial(_main_body, _NB, m, float(e_total)),
        grid=(nk // _NB,),
        in_specs=[
            full((2, two_f)),
            pl.BlockSpec((r, hp), lambda i: (i, 0)),
            pl.BlockSpec((_NB, f), lambda i: (i, 0)),
            pl.BlockSpec((r, de), lambda i: (i, 0)),
            full((f, two_f)), full((f, two_f)), full((de, two_f)),
            full((1, two_f)), full((1, two_f)), full((1, two_f)),
        ],
        out_specs=pl.BlockSpec((_NB, f), lambda i: (i, 0)),
        out_shape=jax.ShapeDtypeStruct((nk, f), jnp.float32),
        interpret=interpret,
    )(stats, ag, a_k, bf_k, ws, wn, wb, b, g1, b1)


_K = 1


def kernel(atom_features, bond_features, W, b, bn1_scale, bn1_bias,
           bn2_scale, bn2_bias, neighbor_indices):
    a = atom_features
    n, f = a.shape
    m = neighbor_indices.shape[1]
    idx_flat = neighbor_indices.reshape(-1)
    de = bond_features.shape[2]
    bflat = bond_features.reshape(n * m, de).astype(jnp.bfloat16)
    w16 = W.astype(jnp.bfloat16)
    ws, wn, wb = w16[:f], w16[f:2 * f], w16[2 * f:]
    b1r = b.reshape(1, -1)
    g1 = bn1_scale.reshape(1, -1)
    bb1 = bn1_bias.reshape(1, -1)
    g2 = bn2_scale.reshape(1, -1)
    bb2 = bn2_bias.reshape(1, -1)

    e_total = n * m
    ek, nk = e_total // _K, n // _K
    ags, sts = [], []
    for k in range(_K):
        ags.append(_sc_gather(a, idx_flat[k * ek:(k + 1) * ek]))
        sts.append(_stats_call(ags[k], a[k * nk:(k + 1) * nk],
                               bflat[k * ek:(k + 1) * ek], ws, wn, wb, b1r))
    stats = sts[0]
    for st in sts[1:]:
        stats = stats + st
    presums = [
        _main_call(stats, ags[k], a[k * nk:(k + 1) * nk],
                   bflat[k * ek:(k + 1) * ek], ws, wn, wb, b1r, g1, bb1,
                   e_total)
        for k in range(_K)
    ]
    out = pl.pallas_call(
        _final_body,
        out_shape=jax.ShapeDtypeStruct((n, f), jnp.float32),
    )(a, *presums, g2, bb2)
    return out

# --- scband reference (transcript-rebuilt; emitter-appended) ---
"""Pipeline reference for scband-multi-neighbor-conv-28527172780532 (READ-ONLY COPY).

The authoritative reference and input builder live on the scoring server;
editing this copy changes nothing except your own understanding.
"""

import jax, jax.numpy as jnp
import numpy as np

N = 10000
M = 32
F = 128
DE = 16

def setup_inputs(seed: int = 0):
    key = jax.random.key(seed)
    k1, k2, k3, k4 = jax.random.split(key, 4)
    atom_features = jax.random.normal(k1, (N, F), dtype=jnp.float32)
    bond_features = jax.random.normal(k2, (N, M, DE), dtype=jnp.float32)
    neighbor_indices = jax.random.randint(k3, (N, M), 0, N, dtype=jnp.int32)
    fin = 2 * F + DE
    W = jax.random.normal(k4, (fin, 2 * F), dtype=jnp.float32) / np.sqrt(fin)
    b = jnp.zeros((2 * F,), dtype=jnp.float32)
    bn1_scale = jnp.ones((2 * F,), dtype=jnp.float32)
    bn1_bias = jnp.zeros((2 * F,), dtype=jnp.float32)
    bn2_scale = jnp.ones((F,), dtype=jnp.float32)
    bn2_bias = jnp.zeros((F,), dtype=jnp.float32)
    return {"atom_features": atom_features, "bond_features": bond_features,
            "W": W, "b": b, "bn1_scale": bn1_scale, "bn1_bias": bn1_bias,
            "bn2_scale": bn2_scale, "bn2_bias": bn2_bias,
            "neighbor_indices": neighbor_indices}

def _batchnorm(x, scale, bias):
    mean = jnp.mean(x, axis=0)
    var = jnp.var(x, axis=0)
    return (x - mean) * jax.lax.rsqrt(var + 1e-5) * scale + bias

def reference(atom_features, bond_features, W, b, bn1_scale, bn1_bias, bn2_scale, bn2_bias, neighbor_indices):
    Nn, Mm = neighbor_indices.shape
    Ff = atom_features.shape[1]
    # gather neighbor atom features (SparseCore gather)
    atom_neighbor_features = atom_features[neighbor_indices, :]
    total_neighbor_features = jnp.concatenate(
        [jnp.tile(atom_features[:, None, :], (1, Mm, 1)),
         atom_neighbor_features,
         bond_features], axis=2)
    total_gated_features = total_neighbor_features @ W + b
    total_gated_features = _batchnorm(total_gated_features.reshape(-1, 2 * Ff), bn1_scale, bn1_bias).reshape(Nn, Mm, 2 * Ff)
    neighbor_filter, neighbor_core = jnp.split(total_gated_features, 2, axis=2)
    neighbor_filter = jax.nn.sigmoid(neighbor_filter)
    neighbor_core = jax.nn.softplus(neighbor_core)
    neighbor_summed = jnp.sum(neighbor_filter * neighbor_core, axis=1)
    neighbor_summed = _batchnorm(neighbor_summed, bn2_scale, bn2_bias)
    out = jax.nn.softplus(atom_features + neighbor_summed)
    return out

if __name__ == "__main__":
    import jax
    _d = setup_inputs()
    print(jax.jit(kernel)(*tuple(_d.values())))

</pallas_src>

<mosaic_0001>
#map = affine_map<(d0, d1) -> (0, 0)>
#map1 = affine_map<(d0, d1) -> (0)>
module attributes {stable_mosaic.version = 14 : i64} {
  func.func @k(%arg0: i32, %arg1: i32, %arg2: memref<10000x128xf32, #tpu.memory_space<hbm>>, %arg3: memref<320000xi32, #tpu.memory_space<hbm>>, %arg4: memref<320000x128xf32, #tpu.memory_space<hbm>>, %arg5: memref<1000xi32, #tpu.memory_space<vmem>>, %arg6: memref<1000x128xf32, #tpu.memory_space<vmem>>, %arg7: memref<!tpu.dma_semaphore, #tpu.memory_space<semaphore_mem>>, %arg8: memref<!tpu.dma_semaphore, #tpu.memory_space<semaphore_mem>>, %arg9: memref<!tpu.dma_semaphore, #tpu.memory_space<semaphore_mem>>) attributes {dimension_semantics = [#tpu.dimension_semantics<core_parallel>, #tpu.dimension_semantics<subcore_parallel>], iteration_bounds = array<i64: 2, 16>, scalar_prefetch = 0 : i64, scratch_operands = 5 : i64, tpu.core_type = #tpu.core_type<sc_vector_subcore>, window_params = [{transform_indices = #map}, {transform_indices = #map1}, {transform_indices = #map}]} {
    %mul3A = arith.constant 2 : i32
    %mul3A_0 = arith.muli %arg1, %mul3A : i32
    %add3A = arith.addi %mul3A_0, %arg0 : i32
    %mul3A_1 = arith.constant 10000 : i32
    %mul3A_2 = arith.muli %add3A, %mul3A_1 : i32
    %scan3A = arith.constant 0 : i32
    %scan3A_3 = arith.constant 0 : i32
    %scan3A_4 = arith.constant 10 : i32
    %scan3A_5 = arith.addi %scan3A_3, %scan3A_4 : i32
    %scan3A_6 = arith.constant 1 : i32
    scf.for %scan3A_8 = %scan3A_3 to %scan3A_5 step %scan3A_6  : i32 {
      %mul3A_9 = arith.constant 1000 : i32
      %mul3A_10 = arith.muli %scan3A_8, %mul3A_9 : i32
      %add3A_11 = arith.addi %mul3A_2, %mul3A_10 : i32
      %dma_start3A = tpu.memref_slice %arg3[%add3A_11] : memref<320000xi32, #tpu.memory_space<hbm>> -> memref<1000xi32, #tpu.memory_space<hbm>>
      %dma_start3A_12 = tpu.memref_slice %arg3[%add3A_11] : memref<320000xi32, #tpu.memory_space<hbm>> -> memref<1000xi32, #tpu.memory_space<hbm>>
      tpu.enqueue_dma source(%dma_start3A_12 : memref<1000xi32, #tpu.memory_space<hbm>>) target(%arg5 : memref<1000xi32, #tpu.memory_space<vmem>>) target_semaphore(%arg7 : memref<!tpu.dma_semaphore, #tpu.memory_space<semaphore_mem>>)
      %mul3A_13 = arith.constant 1000 : i32
      %mul3A_14 = arith.muli %scan3A_8, %mul3A_13 : i32
      %add3A_15 = arith.addi %mul3A_2, %mul3A_14 : i32
      %dma_wait3A = tpu.memref_slice %arg3[%add3A_15] : memref<320000xi32, #tpu.memory_space<hbm>> -> memref<1000xi32, #tpu.memory_space<hbm>>
      %dma_wait3A_16 = tpu.memref_slice %arg3[%add3A_15] : memref<320000xi32, #tpu.memory_space<hbm>> -> memref<1000xi32, #tpu.memory_space<hbm>>
      tpu.wait_dma2 semaphore(%arg7 : memref<!tpu.dma_semaphore, #tpu.memory_space<semaphore_mem>>) src(%dma_wait3A_16 : memref<1000xi32, #tpu.memory_space<hbm>>) dst(%arg5 : memref<1000xi32, #tpu.memory_space<vmem>>)
      %dma_start3A_17 = arith.constant 0 : i32
      %dma_start3A_18 = arith.constant 0 : i32
      %dma_start3A_19 = tpu.memref_slice %arg6[%dma_start3A_17, %dma_start3A_18] : memref<1000x128xf32, #tpu.memory_space<vmem>> -> memref<1000x128xf32, #tpu.memory_space<vmem>>
      %dma_start3A_20 = arith.constant 0 : i32
      %dma_start3A_21 = tpu.memref_slice %arg5[%dma_start3A_20] : memref<1000xi32, #tpu.memory_space<vmem>> -> memref<1000xi32, #tpu.memory_space<vmem>>
      %dma_start3A_22 = arith.constant 0 : i32
      %dma_start3A_23 = arith.constant 0 : i32
      %dma_start3A_24 = tpu.memref_slice %arg2[%dma_start3A_22, %dma_start3A_23] : memref<10000x128xf32, #tpu.memory_space<hbm>> -> memref<10000x128xf32, #tpu.memory_space<hbm>>
      tpu.enqueue_indirect_dma source(%dma_start3A_24 : memref<10000x128xf32, #tpu.memory_space<hbm>>) target(%dma_start3A_19 : memref<1000x128xf32, #tpu.memory_space<vmem>>) offsets(%dma_start3A_21 : memref<1000xi32, #tpu.memory_space<vmem>>) semaphore(%arg8 : memref<!tpu.dma_semaphore, #tpu.memory_space<semaphore_mem>>)
      %dma_wait3A_25 = arith.constant 0 : i32
      %dma_wait3A_26 = arith.constant 0 : i32
      %dma_wait3A_27 = tpu.memref_slice %arg6[%dma_wait3A_25, %dma_wait3A_26] : memref<1000x128xf32, #tpu.memory_space<vmem>> -> memref<1000x128xf32, #tpu.memory_space<vmem>>
      %dma_wait3A_28 = arith.constant 0 : i32
      %dma_wait3A_29 = tpu.memref_slice %arg5[%dma_wait3A_28] : memref<1000xi32, #tpu.memory_space<vmem>> -> memref<1000xi32, #tpu.memory_space<vmem>>
      %dma_wait3A_30 = arith.constant 0 : i32
      %dma_wait3A_31 = arith.constant 0 : i32
      %dma_wait3A_32 = tpu.memref_slice %arg2[%dma_wait3A_30, %dma_wait3A_31] : memref<10000x128xf32, #tpu.memory_space<hbm>> -> memref<10000x128xf32, #tpu.memory_space<hbm>>
      tpu.wait_indirect_dma semaphore(%arg8 : memref<!tpu.dma_semaphore, #tpu.memory_space<semaphore_mem>>) src(%dma_wait3A_32 : memref<10000x128xf32, #tpu.memory_space<hbm>>) dst(%dma_wait3A_27 : memref<1000x128xf32, #tpu.memory_space<vmem>>)
      %mul3A_33 = arith.constant 1000 : i32
      %mul3A_34 = arith.muli %scan3A_8, %mul3A_33 : i32
      %add3A_35 = arith.addi %mul3A_2, %mul3A_34 : i32
      %dma_start3A_36 = arith.constant 0 : i32
      %dma_start3A_37 = tpu.memref_slice %arg4[%add3A_35, %dma_start3A_36] : memref<320000x128xf32, #tpu.memory_space<hbm>> -> memref<1000x128xf32, #tpu.memory_space<hbm>>
      %dma_start3A_38 = arith.constant 0 : i32
      %dma_start3A_39 = tpu.memref_slice %arg4[%add3A_35, %dma_start3A_38] : memref<320000x128xf32, #tpu.memory_space<hbm>> -> memref<1000x128xf32, #tpu.memory_space<hbm>>
      tpu.enqueue_dma source(%arg6 : memref<1000x128xf32, #tpu.memory_space<vmem>>) target(%dma_start3A_39 : memref<1000x128xf32, #tpu.memory_space<hbm>>) target_semaphore(%arg9 : memref<!tpu.dma_semaphore, #tpu.memory_space<semaphore_mem>>)
      %mul3A_40 = arith.constant 1000 : i32
      %mul3A_41 = arith.muli %scan3A_8, %mul3A_40 : i32
      %add3A_42 = arith.addi %mul3A_2, %mul3A_41 : i32
      %dma_wait3A_43 = arith.constant 0 : i32
      %dma_wait3A_44 = tpu.memref_slice %arg4[%add3A_42, %dma_wait3A_43] : memref<320000x128xf32, #tpu.memory_space<hbm>> -> memref<1000x128xf32, #tpu.memory_space<hbm>>
      %dma_wait3A_45 = arith.constant 0 : i32
      %dma_wait3A_46 = tpu.memref_slice %arg4[%add3A_42, %dma_wait3A_45] : memref<320000x128xf32, #tpu.memory_space<hbm>> -> memref<1000x128xf32, #tpu.memory_space<hbm>>
      tpu.wait_dma2 semaphore(%arg9 : memref<!tpu.dma_semaphore, #tpu.memory_space<semaphore_mem>>) src(%arg6 : memref<1000x128xf32, #tpu.memory_space<vmem>>) dst(%dma_wait3A_46 : memref<1000x128xf32, #tpu.memory_space<hbm>>)
    }
    %scan3A_7 = arith.constant 10 : i32
    return
  }
}

module attributes {stable_mosaic.version = 14 : i64} {
  func.func @_stats_body(%arg0: i32, %arg1: memref<12800x128xf32, #tpu.memory_space<vmem>>, %arg2: memref<400x128xf32, #tpu.memory_space<vmem>>, %arg3: memref<12800x16xbf16, #tpu.memory_space<vmem>>, %arg4: memref<128x256xbf16, #tpu.memory_space<vmem>>, %arg5: memref<128x256xbf16, #tpu.memory_space<vmem>>, %arg6: memref<16x256xbf16, #tpu.memory_space<vmem>>, %arg7: memref<1x256xf32, #tpu.memory_space<vmem>>, %arg8: memref<2x256xf32, #tpu.memory_space<vmem>>) attributes {dimension_semantics = [#tpu.dimension_semantics<arbitrary>], iteration_bounds = array<i64: 25>, scalar_prefetch = 0 : i64, scratch_operands = 0 : i64, tpu.core_type = #tpu.core_type<tc>, window_params = [{transform_indices = @transform_0, window_bounds = array<i64: 12800, 128>}, {transform_indices = @transform_1, window_bounds = array<i64: 400, 128>}, {transform_indices = @transform_2, window_bounds = array<i64: 12800, 16>}, {pipeline_mode = #tpu.pipeline_mode<synchronous>, transform_indices = @transform_3, window_bounds = array<i64: 128, 256>}, {pipeline_mode = #tpu.pipeline_mode<synchronous>, transform_indices = @transform_4, window_bounds = array<i64: 128, 256>}, {pipeline_mode = #tpu.pipeline_mode<synchronous>, transform_indices = @transform_5, window_bounds = array<i64: 16, 256>}, {pipeline_mode = #tpu.pipeline_mode<synchronous>, transform_indices = @transform_6, window_bounds = array<i64: 1, 256>}, {pipeline_mode = #tpu.pipeline_mode<synchronous>, transform_indices = @transform_7, window_bounds = array<i64: 2, 256>}]} {
    %get3A = arith.constant 0 : index
    %get3A_0 = arith.constant 0 : index
    %get3A_1 = vector.load %arg1[%get3A, %get3A_0] : memref<12800x128xf32, #tpu.memory_space<vmem>>, vector<12800x128xf32>
    %get3A_2 = arith.constant 0 : index
    %get3A_3 = arith.constant 0 : index
    %get3A_4 = vector.load %arg2[%get3A_2, %get3A_3] : memref<400x128xf32, #tpu.memory_space<vmem>>, vector<400x128xf32>
    %get3A_5 = arith.constant 0 : index
    %get3A_6 = arith.constant 0 : index
    %get3A_7 = vector.load %arg3[%get3A_5, %get3A_6] : memref<12800x16xbf16, #tpu.memory_space<vmem>>, vector<12800x16xbf16>
    %get3A_8 = arith.constant 0 : index
    %get3A_9 = arith.constant 0 : index
    %get3A_10 = vector.load %arg4[%get3A_8, %get3A_9] : memref<128x256xbf16, #tpu.memory_space<vmem>>, vector<128x256xbf16>
    %get3A_11 = arith.constant 0 : index
    %get3A_12 = arith.constant 0 : index
    %get3A_13 = vector.load %arg5[%get3A_11, %get3A_12] : memref<128x256xbf16, #tpu.memory_space<vmem>>, vector<128x256xbf16>
    %get3A_14 = arith.constant 0 : index
    %get3A_15 = arith.constant 0 : index
    %get3A_16 = vector.load %arg6[%get3A_14, %get3A_15] : memref<16x256xbf16, #tpu.memory_space<vmem>>, vector<16x256xbf16>
    %get3A_17 = arith.constant 0 : index
    %get3A_18 = arith.constant 0 : index
    %get3A_19 = vector.load %arg7[%get3A_17, %get3A_18] : memref<1x256xf32, #tpu.memory_space<vmem>>, vector<1x256xf32>
    %convert_element_type3A = arith.truncf %get3A_4 : vector<400x128xf32> to vector<400x128xbf16>
    %dot_general3A = arith.constant dense<0.000000e+00> : vector<400x256xf32>
    %dot_general3A_20 = tpu.matmul %convert_element_type3A, %get3A_10, %dot_general3A {dimension_numbers = #tpu.dot_dimension_numbers<[1], [0], [0], [1], [0, 0, 1, 1], [], []>, transpose_lhs_hint = false} : vector<400x128xbf16>, vector<128x256xbf16>, vector<400x256xf32> -> vector<400x256xf32>
    %convert_element_type3A_21 = arith.truncf %get3A_1 : vector<12800x128xf32> to vector<12800x128xbf16>
    %dot_general3A_22 = arith.constant dense<0.000000e+00> : vector<12800x256xf32>
    %dot_general3A_23 = tpu.matmul %convert_element_type3A_21, %get3A_13, %dot_general3A_22 {dimension_numbers = #tpu.dot_dimension_numbers<[1], [0], [0], [1], [0, 0, 1, 1], [], []>, transpose_lhs_hint = false} : vector<12800x128xbf16>, vector<128x256xbf16>, vector<12800x256xf32> -> vector<12800x256xf32>
    %dot_general3A_24 = arith.constant dense<0.000000e+00> : vector<12800x256xf32>
    %dot_general3A_25 = tpu.matmul %get3A_7, %get3A_16, %dot_general3A_24 {dimension_numbers = #tpu.dot_dimension_numbers<[1], [0], [0], [1], [0, 0, 1, 1], [], []>, transpose_lhs_hint = false} : vector<12800x16xbf16>, vector<16x256xbf16>, vector<12800x256xf32> -> vector<12800x256xf32>
    %broadcast_in_dim3A = vector.shape_cast %dot_general3A_20 : vector<400x256xf32> to vector<400x1x256xf32>
    %broadcast_in_dim3A_26 = vector.shape_cast %broadcast_in_dim3A : vector<400x1x256xf32> to vector<400x1x256xf32>
    %broadcast_in_dim3A_27 = vector.broadcast %broadcast_in_dim3A_26 : vector<400x1x256xf32> to vector<400x32x256xf32>
    %reshape3A = vector.shape_cast %broadcast_in_dim3A_27 : vector<400x32x256xf32> to vector<12800x256xf32>
    %add3A = arith.addf %dot_general3A_23, %dot_general3A_25 : vector<12800x256xf32>
    %add3A_28 = arith.addf %add3A, %reshape3A : vector<12800x256xf32>
    %add3A_29 = vector.broadcast %get3A_19 : vector<1x256xf32> to vector<12800x256xf32>
    %add3A_30 = arith.addf %add3A_28, %add3A_29 : vector<12800x256xf32>
    %eq3A = arith.constant 0 : i32
    %eq3A_31 = arith.cmpi eq, %arg0, %eq3A : i32
    %convert_element_type3A_32 = arith.extui %eq3A_31 : i1 to i32
    %cond3A = arith.constant 0 : i32
    %cond3A_33 = arith.cmpi ne, %convert_element_type3A_32, %cond3A : i32
    scf.if %cond3A_33 {
      %broadcast_in_dim3A_45 = arith.constant 0.000000e+00 : f32
      %broadcast_in_dim3A_46 = vector.broadcast %broadcast_in_dim3A_45 : f32 to vector<2x256xf32>
      %swap3A_47 = arith.constant 0 : index
      %swap3A_48 = arith.constant 0 : index
      %swap3A_49 = vector.load %arg8[%swap3A_47, %swap3A_48] : memref<2x256xf32, #tpu.memory_space<vmem>>, vector<2x256xf32>
      tpu.vector_store %arg8[%swap3A_47, %swap3A_48], %broadcast_in_dim3A_46 {strides = array<i32>} : memref<2x256xf32, #tpu.memory_space<vmem>>, vector<2x256xf32>,
    } else {
    }
    %reduce_sum3A = arith.constant dense<0.000000e+00> : vector<256xf32>
    %reduce_sum3A_34 = vector.multi_reduction <add>, %add3A_30, %reduce_sum3A [0] : vector<12800x256xf32> to vector<256xf32>
    %broadcast_in_dim3A_35 = vector.shape_cast %reduce_sum3A_34 : vector<256xf32> to vector<1x256xf32>
    %mul3A = arith.mulf %add3A_30, %add3A_30 : vector<12800x256xf32>
    %reduce_sum3A_36 = arith.constant dense<0.000000e+00> : vector<256xf32>
    %reduce_sum3A_37 = vector.multi_reduction <add>, %mul3A, %reduce_sum3A_36 [0] : vector<12800x256xf32> to vector<256xf32>
    %broadcast_in_dim3A_38 = vector.shape_cast %reduce_sum3A_37 : vector<256xf32> to vector<1x256xf32>
    %get3A_39 = arith.constant 0 : index
    %get3A_40 = arith.constant 0 : index
    %get3A_41 = vector.load %arg8[%get3A_39, %get3A_40] : memref<2x256xf32, #tpu.memory_space<vmem>>, vector<2x256xf32>
    %concatenate3A = tpu.concatenate %broadcast_in_dim3A_35, %broadcast_in_dim3A_38 in 0 : vector<1x256xf32>, vector<1x256xf32> -> vector<2x256xf32>
    %add3A_42 = arith.addf %get3A_41, %concatenate3A : vector<2x256xf32>
    %swap3A = arith.constant 0 : index
    %swap3A_43 = arith.constant 0 : index
    %swap3A_44 = vector.load %arg8[%swap3A, %swap3A_43] : memref<2x256xf32, #tpu.memory_space<vmem>>, vector<2x256xf32>
    tpu.vector_store %arg8[%swap3A, %swap3A_43], %add3A_42 {strides = array<i32>} : memref<2x256xf32, #tpu.memory_space<vmem>>, vector<2x256xf32>,
    return
  }
  func.func @transform_0(%arg0: i32) -> (i32, i32) {
    %c0_i32 = arith.constant 0 : i32
    %c0_i32_0 = arith.constant 0 : i32
    return %arg0, %c0_i32 : i32, i32
  }
  func.func @transform_1(%arg0: i32) -> (i32, i32) {
    %c0_i32 = arith.constant 0 : i32
    %c0_i32_0 = arith.constant 0 : i32
    return %arg0, %c0_i32 : i32, i32
  }
  func.func @transform_2(%arg0: i32) -> (i32, i32) {
    %c0_i32 = arith.constant 0 : i32
    %c0_i32_0 = arith.constant 0 : i32
    return %arg0, %c0_i32 : i32, i32
  }
  func.func @transform_3(%arg0: i32) -> (i32, i32) {
    %c0_i32 = arith.constant 0 : i32
    %c0_i32_0 = arith.constant 0 : i32
    %c0_i32_1 = arith.constant 0 : i32
    return %c0_i32, %c0_i32_0 : i32, i32
  }
  func.func @transform_4(%arg0: i32) -> (i32, i32) {
    %c0_i32 = arith.constant 0 : i32
    %c0_i32_0 = arith.constant 0 : i32
    %c0_i32_1 = arith.constant 0 : i32
    return %c0_i32, %c0_i32_0 : i32, i32
  }
  func.func @transform_5(%arg0: i32) -> (i32, i32) {
    %c0_i32 = arith.constant 0 : i32
    %c0_i32_0 = arith.constant 0 : i32
    %c0_i32_1 = arith.constant 0 : i32
    return %c0_i32, %c0_i32_0 : i32, i32
  }
  func.func @transform_6(%arg0: i32) -> (i32, i32) {
    %c0_i32 = arith.constant 0 : i32
    %c0_i32_0 = arith.constant 0 : i32
    %c0_i32_1 = arith.constant 0 : i32
    return %c0_i32, %c0_i32_0 : i32, i32
  }
  func.func @transform_7(%arg0: i32) -> (i32, i32) {
    %c0_i32 = arith.constant 0 : i32
    %c0_i32_0 = arith.constant 0 : i32
    %c0_i32_1 = arith.constant 0 : i32
    return %c0_i32, %c0_i32_0 : i32, i32
  }
}

module attributes {stable_mosaic.version = 14 : i64} {
  func.func @_main_body(%arg0: i32, %arg1: memref<2x256xf32, #tpu.memory_space<vmem>>, %arg2: memref<12800x128xf32, #tpu.memory_space<vmem>>, %arg3: memref<400x128xf32, #tpu.memory_space<vmem>>, %arg4: memref<12800x16xbf16, #tpu.memory_space<vmem>>, %arg5: memref<128x256xbf16, #tpu.memory_space<vmem>>, %arg6: memref<128x256xbf16, #tpu.memory_space<vmem>>, %arg7: memref<16x256xbf16, #tpu.memory_space<vmem>>, %arg8: memref<1x256xf32, #tpu.memory_space<vmem>>, %arg9: memref<1x256xf32, #tpu.memory_space<vmem>>, %arg10: memref<1x256xf32, #tpu.memory_space<vmem>>, %arg11: memref<400x128xf32, #tpu.memory_space<vmem>>) attributes {dimension_semantics = [#tpu.dimension_semantics<arbitrary>], iteration_bounds = array<i64: 25>, scalar_prefetch = 0 : i64, scratch_operands = 0 : i64, tpu.core_type = #tpu.core_type<tc>, window_params = [{pipeline_mode = #tpu.pipeline_mode<synchronous>, transform_indices = @transform_0, window_bounds = array<i64: 2, 256>}, {transform_indices = @transform_1, window_bounds = array<i64: 12800, 128>}, {transform_indices = @transform_2, window_bounds = array<i64: 400, 128>}, {transform_indices = @transform_3, window_bounds = array<i64: 12800, 16>}, {pipeline_mode = #tpu.pipeline_mode<synchronous>, transform_indices = @transform_4, window_bounds = array<i64: 128, 256>}, {pipeline_mode = #tpu.pipeline_mode<synchronous>, transform_indices = @transform_5, window_bounds = array<i64: 128, 256>}, {pipeline_mode = #tpu.pipeline_mode<synchronous>, transform_indices = @transform_6, window_bounds = array<i64: 16, 256>}, {pipeline_mode = #tpu.pipeline_mode<synchronous>, transform_indices = @transform_7, window_bounds = array<i64: 1, 256>}, {pipeline_mode = #tpu.pipeline_mode<synchronous>, transform_indices = @transform_8, window_bounds = array<i64: 1, 256>}, {pipeline_mode = #tpu.pipeline_mode<synchronous>, transform_indices = @transform_9, window_bounds = array<i64: 1, 256>}, {transform_indices = @transform_10, window_bounds = array<i64: 400, 128>}]} {
    %get3A = arith.constant 0 : index
    %get3A_0 = arith.constant 0 : index
    %get3A_1 = vector.load %arg2[%get3A, %get3A_0] : memref<12800x128xf32, #tpu.memory_space<vmem>>, vector<12800x128xf32>
    %get3A_2 = arith.constant 0 : index
    %get3A_3 = arith.constant 0 : index
    %get3A_4 = vector.load %arg3[%get3A_2, %get3A_3] : memref<400x128xf32, #tpu.memory_space<vmem>>, vector<400x128xf32>
    %get3A_5 = arith.constant 0 : index
    %get3A_6 = arith.constant 0 : index
    %get3A_7 = vector.load %arg4[%get3A_5, %get3A_6] : memref<12800x16xbf16, #tpu.memory_space<vmem>>, vector<12800x16xbf16>
    %get3A_8 = arith.constant 0 : index
    %get3A_9 = arith.constant 0 : index
    %get3A_10 = vector.load %arg5[%get3A_8, %get3A_9] : memref<128x256xbf16, #tpu.memory_space<vmem>>, vector<128x256xbf16>
    %get3A_11 = arith.constant 0 : index
    %get3A_12 = arith.constant 0 : index
    %get3A_13 = vector.load %arg6[%get3A_11, %get3A_12] : memref<128x256xbf16, #tpu.memory_space<vmem>>, vector<128x256xbf16>
    %get3A_14 = arith.constant 0 : index
    %get3A_15 = arith.constant 0 : index
    %get3A_16 = vector.load %arg7[%get3A_14, %get3A_15] : memref<16x256xbf16, #tpu.memory_space<vmem>>, vector<16x256xbf16>
    %get3A_17 = arith.constant 0 : index
    %get3A_18 = arith.constant 0 : index
    %get3A_19 = vector.load %arg8[%get3A_17, %get3A_18] : memref<1x256xf32, #tpu.memory_space<vmem>>, vector<1x256xf32>
    %convert_element_type3A = arith.truncf %get3A_4 : vector<400x128xf32> to vector<400x128xbf16>
    %dot_general3A = arith.constant dense<0.000000e+00> : vector<400x256xf32>
    %dot_general3A_20 = tpu.matmul %convert_element_type3A, %get3A_10, %dot_general3A {dimension_numbers = #tpu.dot_dimension_numbers<[1], [0], [0], [1], [0, 0, 1, 1], [], []>, transpose_lhs_hint = false} : vector<400x128xbf16>, vector<128x256xbf16>, vector<400x256xf32> -> vector<400x256xf32>
    %convert_element_type3A_21 = arith.truncf %get3A_1 : vector<12800x128xf32> to vector<12800x128xbf16>
    %dot_general3A_22 = arith.constant dense<0.000000e+00> : vector<12800x256xf32>
    %dot_general3A_23 = tpu.matmul %convert_element_type3A_21, %get3A_13, %dot_general3A_22 {dimension_numbers = #tpu.dot_dimension_numbers<[1], [0], [0], [1], [0, 0, 1, 1], [], []>, transpose_lhs_hint = false} : vector<12800x128xbf16>, vector<128x256xbf16>, vector<12800x256xf32> -> vector<12800x256xf32>
    %dot_general3A_24 = arith.constant dense<0.000000e+00> : vector<12800x256xf32>
    %dot_general3A_25 = tpu.matmul %get3A_7, %get3A_16, %dot_general3A_24 {dimension_numbers = #tpu.dot_dimension_numbers<[1], [0], [0], [1], [0, 0, 1, 1], [], []>, transpose_lhs_hint = false} : vector<12800x16xbf16>, vector<16x256xbf16>, vector<12800x256xf32> -> vector<12800x256xf32>
    %broadcast_in_dim3A = vector.shape_cast %dot_general3A_20 : vector<400x256xf32> to vector<400x1x256xf32>
    %broadcast_in_dim3A_26 = vector.shape_cast %broadcast_in_dim3A : vector<400x1x256xf32> to vector<400x1x256xf32>
    %broadcast_in_dim3A_27 = vector.broadcast %broadcast_in_dim3A_26 : vector<400x1x256xf32> to vector<400x32x256xf32>
    %reshape3A = vector.shape_cast %broadcast_in_dim3A_27 : vector<400x32x256xf32> to vector<12800x256xf32>
    %add3A = arith.addf %dot_general3A_23, %dot_general3A_25 : vector<12800x256xf32>
    %add3A_28 = arith.addf %add3A, %reshape3A : vector<12800x256xf32>
    %add3A_29 = vector.broadcast %get3A_19 : vector<1x256xf32> to vector<12800x256xf32>
    %add3A_30 = arith.addf %add3A_28, %add3A_29 : vector<12800x256xf32>
    %get3A_31 = arith.constant 0 : index
    %get3A_32 = arith.constant 0 : index
    %get3A_33 = vector.load %arg1[%get3A_31, %get3A_32] : memref<2x256xf32, #tpu.memory_space<vmem>>, vector<2x256xf32>
    %slice3A = vector.extract_strided_slice %get3A_33 {offsets = [0, 0], sizes = [1, 256], strides = [1, 1]} : vector<2x256xf32> to vector<1x256xf32>
    %div3A = arith.constant 3.200000e+05 : f32
    %div3A_34 = vector.broadcast %div3A : f32 to vector<1x256xf32>
    %div3A_35 = arith.divf %slice3A, %div3A_34 : vector<1x256xf32>
    %slice3A_36 = vector.extract_strided_slice %get3A_33 {offsets = [1, 0], sizes = [1, 256], strides = [1, 1]} : vector<2x256xf32> to vector<1x256xf32>
    %div3A_37 = arith.constant 3.200000e+05 : f32
    %div3A_38 = vector.broadcast %div3A_37 : f32 to vector<1x256xf32>
    %div3A_39 = arith.divf %slice3A_36, %div3A_38 : vector<1x256xf32>
    %mul3A = arith.mulf %div3A_35, %div3A_35 : vector<1x256xf32>
    %sub3A = arith.subf %div3A_39, %mul3A : vector<1x256xf32>
    %add3A_40 = arith.constant 9.99999974E-6 : f32
    %add3A_41 = vector.broadcast %add3A_40 : f32 to vector<1x256xf32>
    %add3A_42 = arith.addf %sub3A, %add3A_41 : vector<1x256xf32>
    %rsqrt3A = math.rsqrt %add3A_42 : vector<1x256xf32>
    %get3A_43 = arith.constant 0 : index
    %get3A_44 = arith.constant 0 : index
    %get3A_45 = vector.load %arg9[%get3A_43, %get3A_44] : memref<1x256xf32, #tpu.memory_space<vmem>>, vector<1x256xf32>
    %mul3A_46 = arith.mulf %rsqrt3A, %get3A_45 : vector<1x256xf32>
    %get3A_47 = arith.constant 0 : index
    %get3A_48 = arith.constant 0 : index
    %get3A_49 = vector.load %arg10[%get3A_47, %get3A_48] : memref<1x256xf32, #tpu.memory_space<vmem>>, vector<1x256xf32>
    %mul3A_50 = arith.mulf %div3A_35, %mul3A_46 : vector<1x256xf32>
    %sub3A_51 = arith.subf %get3A_49, %mul3A_50 : vector<1x256xf32>
    %mul3A_52 = vector.broadcast %mul3A_46 : vector<1x256xf32> to vector<12800x256xf32>
    %mul3A_53 = arith.mulf %add3A_30, %mul3A_52 : vector<12800x256xf32>
    %add3A_54 = vector.broadcast %sub3A_51 : vector<1x256xf32> to vector<12800x256xf32>
    %add3A_55 = arith.addf %mul3A_53, %add3A_54 : vector<12800x256xf32>
    %convert_element_type3A_56 = arith.truncf %add3A_55 : vector<12800x256xf32> to vector<12800x256xbf16>
    %slice3A_57 = vector.extract_strided_slice %convert_element_type3A_56 {offsets = [0, 0], sizes = [12800, 128], strides = [1, 1]} : vector<12800x256xbf16> to vector<12800x128xbf16>
    %logistic3A = arith.negf %slice3A_57 : vector<12800x128xbf16>
    %logistic3A_58 = math.exp %logistic3A : vector<12800x128xbf16>
    %logistic3A_59 = arith.constant 1.000000e+00 : bf16
    %logistic3A_60 = vector.broadcast %logistic3A_59 : bf16 to vector<12800x128xbf16>
    %logistic3A_61 = arith.addf %logistic3A_60, %logistic3A_58 : vector<12800x128xbf16>
    %logistic3A_62 = arith.divf %logistic3A_60, %logistic3A_61 : vector<12800x128xbf16>
    %slice3A_63 = vector.extract_strided_slice %convert_element_type3A_56 {offsets = [0, 128], sizes = [12800, 128], strides = [1, 1]} : vector<12800x256xbf16> to vector<12800x128xbf16>
    %custom_jvp_call3A = arith.constant 0.000000e+00 : bf16
    %max3A = vector.broadcast %custom_jvp_call3A : bf16 to vector<12800x128xbf16>
    %max3A_64 = arith.maximumf %slice3A_63, %max3A : vector<12800x128xbf16>
    %sub3A_65 = vector.broadcast %custom_jvp_call3A : bf16 to vector<12800x128xbf16>
    %sub3A_66 = arith.subf %slice3A_63, %sub3A_65 : vector<12800x128xbf16>
    %ne3A = arith.cmpf one, %sub3A_66, %sub3A_66 : vector<12800x128xbf16>
    %add3A_67 = vector.broadcast %custom_jvp_call3A : bf16 to vector<12800x128xbf16>
    %add3A_68 = arith.addf %slice3A_63, %add3A_67 : vector<12800x128xbf16>
    %abs3A = math.absf %sub3A_66 : vector<12800x128xbf16>
    %neg3A = arith.constant 0.000000e+00 : bf16
    %neg3A_69 = vector.broadcast %neg3A : bf16 to vector<12800x128xbf16>
    %neg3A_70 = arith.subf %neg3A_69, %abs3A : vector<12800x128xbf16>
    %exp3A = math.exp %neg3A_70 : vector<12800x128xbf16>
    %log1p3A = math.log1p %exp3A : vector<12800x128xbf16>
    %add3A_71 = arith.addf %max3A_64, %log1p3A : vector<12800x128xbf16>
    %select_n3A = arith.select %ne3A, %add3A_68, %add3A_71 : vector<12800x128xi1>, vector<12800x128xbf16>
    %mul3A_72 = arith.mulf %logistic3A_62, %select_n3A : vector<12800x128xbf16>
    %convert_element_type3A_73 = arith.extf %mul3A_72 : vector<12800x128xbf16> to vector<12800x128xf32>
    %reshape3A_74 = vector.shape_cast %convert_element_type3A_73 : vector<12800x128xf32> to vector<400x32x128xf32>
    %reduce_sum3A = arith.constant dense<0.000000e+00> : vector<400x128xf32>
    %reduce_sum3A_75 = vector.multi_reduction <add>, %reshape3A_74, %reduce_sum3A [1] : vector<400x32x128xf32> to vector<400x128xf32>
    %swap3A = arith.constant 0 : index
    %swap3A_76 = arith.constant 0 : index
    %swap3A_77 = vector.load %arg11[%swap3A, %swap3A_76] : memref<400x128xf32, #tpu.memory_space<vmem>>, vector<400x128xf32>
    tpu.vector_store %arg11[%swap3A, %swap3A_76], %reduce_sum3A_75 {strides = array<i32>} : memref<400x128xf32, #tpu.memory_space<vmem>>, vector<400x128xf32>,
    return
  }
  func.func @transform_0(%arg0: i32) -> (i32, i32) {
    %c0_i32 = arith.constant 0 : i32
    %c0_i32_0 = arith.constant 0 : i32
    %c0_i32_1 = arith.constant 0 : i32
    return %c0_i32, %c0_i32_0 : i32, i32
  }
  func.func @transform_1(%arg0: i32) -> (i32, i32) {
    %c0_i32 = arith.constant 0 : i32
    %c0_i32_0 = arith.constant 0 : i32
    return %arg0, %c0_i32 : i32, i32
  }
  func.func @transform_2(%arg0: i32) -> (i32, i32) {
    %c0_i32 = arith.constant 0 : i32
    %c0_i32_0 = arith.constant 0 : i32
    return %arg0, %c0_i32 : i32, i32
  }
  func.func @transform_3(%arg0: i32) -> (i32, i32) {
    %c0_i32 = arith.constant 0 : i32
    %c0_i32_0 = arith.constant 0 : i32
    return %arg0, %c0_i32 : i32, i32
  }
  func.func @transform_4(%arg0: i32) -> (i32, i32) {
    %c0_i32 = arith.constant 0 : i32
    %c0_i32_0 = arith.constant 0 : i32
    %c0_i32_1 = arith.constant 0 : i32
    return %c0_i32, %c0_i32_0 : i32, i32
  }
  func.func @transform_5(%arg0: i32) -> (i32, i32) {
    %c0_i32 = arith.constant 0 : i32
    %c0_i32_0 = arith.constant 0 : i32
    %c0_i32_1 = arith.constant 0 : i32
    return %c0_i32, %c0_i32_0 : i32, i32
  }
  func.func @transform_6(%arg0: i32) -> (i32, i32) {
    %c0_i32 = arith.constant 0 : i32
    %c0_i32_0 = arith.constant 0 : i32
    %c0_i32_1 = arith.constant 0 : i32
    return %c0_i32, %c0_i32_0 : i32, i32
  }
  func.func @transform_7(%arg0: i32) -> (i32, i32) {
    %c0_i32 = arith.constant 0 : i32
    %c0_i32_0 = arith.constant 0 : i32
    %c0_i32_1 = arith.constant 0 : i32
    return %c0_i32, %c0_i32_0 : i32, i32
  }
  func.func @transform_8(%arg0: i32) -> (i32, i32) {
    %c0_i32 = arith.constant 0 : i32
    %c0_i32_0 = arith.constant 0 : i32
    %c0_i32_1 = arith.constant 0 : i32
    return %c0_i32, %c0_i32_0 : i32, i32
  }
  func.func @transform_9(%arg0: i32) -> (i32, i32) {
    %c0_i32 = arith.constant 0 : i32
    %c0_i32_0 = arith.constant 0 : i32
    %c0_i32_1 = arith.constant 0 : i32
    return %c0_i32, %c0_i32_0 : i32, i32
  }
  func.func @transform_10(%arg0: i32) -> (i32, i32) {
    %c0_i32 = arith.constant 0 : i32
    %c0_i32_0 = arith.constant 0 : i32
    return %arg0, %c0_i32 : i32, i32
  }
}

module attributes {stable_mosaic.version = 14 : i64} {
  func.func @_final_body(%arg0: memref<10000x128xf32, #tpu.memory_space<vmem>>, %arg1: memref<10000x128xf32, #tpu.memory_space<vmem>>, %arg2: memref<1x128xf32, #tpu.memory_space<vmem>>, %arg3: memref<1x128xf32, #tpu.memory_space<vmem>>, %arg4: memref<10000x128xf32, #tpu.memory_space<vmem>>) attributes {dimension_semantics = [], scalar_prefetch = 0 : i64, scratch_operands = 0 : i64, tpu.core_type = #tpu.core_type<tc>} {
    %get3A = arith.constant 0 : index
    %get3A_0 = arith.constant 0 : index
    %get3A_1 = vector.load %arg1[%get3A, %get3A_0] : memref<10000x128xf32, #tpu.memory_space<vmem>>, vector<10000x128xf32>
    %reduce_sum3A = arith.constant dense<0.000000e+00> : vector<128xf32>
    %reduce_sum3A_2 = vector.multi_reduction <add>, %get3A_1, %reduce_sum3A [0] : vector<10000x128xf32> to vector<128xf32>
    %broadcast_in_dim3A = vector.shape_cast %reduce_sum3A_2 : vector<128xf32> to vector<1x128xf32>
    %div3A = arith.constant 1.000000e+04 : f32
    %div3A_3 = vector.broadcast %div3A : f32 to vector<1x128xf32>
    %div3A_4 = arith.divf %broadcast_in_dim3A, %div3A_3 : vector<1x128xf32>
    %sub3A = vector.broadcast %div3A_4 : vector<1x128xf32> to vector<10000x128xf32>
    %sub3A_5 = arith.subf %get3A_1, %sub3A : vector<10000x128xf32>
    %mul3A = arith.mulf %sub3A_5, %sub3A_5 : vector<10000x128xf32>
    %reduce_sum3A_6 = arith.constant dense<0.000000e+00> : vector<128xf32>
    %reduce_sum3A_7 = vector.multi_reduction <add>, %mul3A, %reduce_sum3A_6 [0] : vector<10000x128xf32> to vector<128xf32>
    %broadcast_in_dim3A_8 = vector.shape_cast %reduce_sum3A_7 : vector<128xf32> to vector<1x128xf32>
    %div3A_9 = arith.constant 1.000000e+04 : f32
    %div3A_10 = vector.broadcast %div3A_9 : f32 to vector<1x128xf32>
    %div3A_11 = arith.divf %broadcast_in_dim3A_8, %div3A_10 : vector<1x128xf32>
    %add3A = arith.constant 9.99999974E-6 : f32
    %add3A_12 = vector.broadcast %add3A : f32 to vector<1x128xf32>
    %add3A_13 = arith.addf %div3A_11, %add3A_12 : vector<1x128xf32>
    %rsqrt3A = math.rsqrt %add3A_13 : vector<1x128xf32>
    %mul3A_14 = vector.broadcast %rsqrt3A : vector<1x128xf32> to vector<10000x128xf32>
    %mul3A_15 = arith.mulf %sub3A_5, %mul3A_14 : vector<10000x128xf32>
    %get3A_16 = arith.constant 0 : index
    %get3A_17 = arith.constant 0 : index
    %get3A_18 = vector.load %arg2[%get3A_16, %get3A_17] : memref<1x128xf32, #tpu.memory_space<vmem>>, vector<1x128xf32>
    %mul3A_19 = vector.broadcast %get3A_18 : vector<1x128xf32> to vector<10000x128xf32>
    %mul3A_20 = arith.mulf %mul3A_15, %mul3A_19 : vector<10000x128xf32>
    %get3A_21 = arith.constant 0 : index
    %get3A_22 = arith.constant 0 : index
    %get3A_23 = vector.load %arg3[%get3A_21, %get3A_22] : memref<1x128xf32, #tpu.memory_space<vmem>>, vector<1x128xf32>
    %add3A_24 = vector.broadcast %get3A_23 : vector<1x128xf32> to vector<10000x128xf32>
    %add3A_25 = arith.addf %mul3A_20, %add3A_24 : vector<10000x128xf32>
    %get3A_26 = arith.constant 0 : index
    %get3A_27 = arith.constant 0 : index
    %get3A_28 = vector.load %arg0[%get3A_26, %get3A_27] : memref<10000x128xf32, #tpu.memory_space<vmem>>, vector<10000x128xf32>
    %add3A_29 = arith.addf %get3A_28, %add3A_25 : vector<10000x128xf32>
    %custom_jvp_call3A = arith.constant 0.000000e+00 : f32
    %max3A = vector.broadcast %custom_jvp_call3A : f32 to vector<10000x128xf32>
    %max3A_30 = arith.maximumf %add3A_29, %max3A : vector<10000x128xf32>
    %sub3A_31 = vector.broadcast %custom_jvp_call3A : f32 to vector<10000x128xf32>
    %sub3A_32 = arith.subf %add3A_29, %sub3A_31 : vector<10000x128xf32>
    %ne3A = arith.cmpf one, %sub3A_32, %sub3A_32 : vector<10000x128xf32>
    %add3A_33 = vector.broadcast %custom_jvp_call3A : f32 to vector<10000x128xf32>
    %add3A_34 = arith.addf %add3A_29, %add3A_33 : vector<10000x128xf32>
    %abs3A = math.absf %sub3A_32 : vector<10000x128xf32>
    %neg3A = arith.constant 0.000000e+00 : f32
    %neg3A_35 = vector.broadcast %neg3A : f32 to vector<10000x128xf32>
    %neg3A_36 = arith.subf %neg3A_35, %abs3A : vector<10000x128xf32>
    %exp3A = math.exp %neg3A_36 : vector<10000x128xf32>
    %log1p3A = math.log1p %exp3A : vector<10000x128xf32>
    %add3A_37 = arith.addf %max3A_30, %log1p3A : vector<10000x128xf32>
    %select_n3A = arith.select %ne3A, %add3A_34, %add3A_37 : vector<10000x128xi1>, vector<10000x128xf32>
    %swap3A = arith.constant 0 : index
    %swap3A_38 = arith.constant 0 : index
    %swap3A_39 = vector.load %arg4[%swap3A, %swap3A_38] : memref<10000x128xf32, #tpu.memory_space<vmem>>, vector<10000x128xf32>
    tpu.vector_store %arg4[%swap3A, %swap3A_38], %select_n3A {strides = array<i32>} : memref<10000x128xf32, #tpu.memory_space<vmem>>, vector<10000x128xf32>,
    return
  }
}

</mosaic_0001>

<sc_bundles>
// kernel: kernel.6.cloned.1.call-start
scs
__scs_entry_jumppad:
0x0: {  	(pc) =	sbr.rel $0x88, $3  }
0x1: {  	(tag) =	ssettag $0x0;
	lr =	simm.s32 $0x1  }
0x2: {  	[smem:$0x3F98] =	sst lr;
	_ =	strace $0xD0000000  }
0x3: {  	_ = 	snop  }
0x4: {  	_ = 	snop  }
0x5: {  	_ = 	snop  }
0x6: {  	_ = 	snop  }
0x7: {  	_ = 	snop  }
__scs_overlays_trampoline_lowered:
0x8: {  	[smem:$0x3FA7] =	sst s0  }
0x9: {  	[smem:$0x3FA8] =	sst s1  }
0xa: {  	[smem:$0x3FA9] =	sst s2  }
0xb: {  	[smem:$0x3FAA] =	sst s3  }
0xc: {  	[smem:$0x3FAB] =	sst s4  }
0xd: {  	[smem:$0x3FAC] =	sst s5  }
0xe: {  	[smem:$0x3FAD] =	sst s6  }
0xf: {  	[smem:$0x3FAE] =	sst s7  }
0x10: {  	[smem:$0x3FAF] =	sst s8  }
0x11: {  	[smem:$0x3FB0] =	sst s9;
	s0 =	simm.s32 @!p0 $0x0  }
0x12: {  	s1 =	sld [smem:$0x3F96];
	s0 =	simm.s32 @p0 $0x1  }
0x13: {  	[smem:$0x3FB1] =	sst s0;
	s0 =	simm.s32 @!p1 $0x0  }
0x14: {  	s2 =	sld [smem:$0x3F95];
	s0 =	simm.s32 @p1 $0x1  }
0x15: {  	[smem:$0x3FB2] =	sst s0;
	s0 =	simm.s32 @!p2 $0x0  }
0x16: {  	s3 =	sld [smem:$0x3FDB];
	s0 =	simm.s32 @p2 $0x1  }
0x17: {  	s4 =	simm.s32 $0x1BF5;
	[smem:$0x3FB4] =	sst s0  }
0x18: {  	s0 =	sld [smem:$0x3F97];
	_ =	swait.ge [sflag:s4], $0x0  }
0x19: {  	s7 =	sld [smem:$0x3F98]  }
0x1a: {  	s8 =	sadd.s32 $0xFFFFE003, lr  }
0x1b: {  	s9 =	sadd.s32 $0xFFFFFEF7, lr;
	s5 =	simm.s32 $0xFFFFFFFF;
	p2 =	slt.u32 s8, $0xFFFFF086  }
0x1c: {  	p1 =	slt.u32 s9, $0xF7A;
	s5 =	simm.s32 @!p2 $0x0  }
0x1d: {  	s5 =	simm.s32 @p1 $0x1;
	p0 =	seq.s32 s7, s2  }
0x1e: {  	s7 =	smul.u32 @!p0 $0xF7A, s2;
	p2 =	seq.s32 @!p0 s5, $0x0  }
0x1f: {  	s9 =	smul.u32 $0xF7A, s1;
	s8 =	simm.s32 @!p0 $0x1BF5;
	p2 =	por !p2, p0  }
0x20: {  	[sflag:s8] =	ssyncset.s32 @!p0 $0xFFFFF086;
	s6 =	sadd.s32 @!p0 s3, s7;
	s7 =	simm.s32 @!p0 $0x108  }
0x21: {  	s3 =	sadd.s32 s3, s9;
	s6 =	sadd.s32 @!p0 $0x88, s6;
	s7 =	simm.s32 @p2 $0x1082  }
0x22: {  	[simem:s7], [sflag:s8] =	dma.local @!p0 [hbm:s6], $0xF7A  }
0x23: {  	s9 =	sor.u32 $0xD0000000, s2;
	s6 =	simm.s32 $0x108;
	_ =	swait.ge @!p0 [sflag:s8], $0x0  }
0x24: {  	s3 =	sadd.s32 $0x88, s3;
	s6 =	simm.s32 @!p1 $0x1082;
	[sflag:s4] =	ssyncset.s32 $0xFFFFF086  }
0x25: {  	[simem:s6], [sflag:s4] =	dma.local [hbm:s3], $0xF7A  }
0x26: {  	[smem:$0x3F98] =	sst s1;
	(tag) =	ssettag s2;
	_ =	strace s9  }
0x27: {  	s1 =	sld [smem:$0x3FA8]  }
0x28: {  	s2 =	sld [smem:$0x3FA9]  }
0x29: {  	s4 =	sld [smem:$0x3FAB]  }
0x2a: {  	p0 =	seq.s32 s5, $0x0;
	s5 =	sld [smem:$0x3FAC]  }
0x2b: {  	s6 =	sld [smem:$0x3FAD]  }
0x2c: {  	s7 =	sld [smem:$0x3FAE]  }
0x2d: {  	s3 =	simm.s32 $0x108;
	s8 =	sld [smem:$0x3FAF]  }
0x2e: {  	s3 =	simm.s32 @!p0 $0x1082;
	s9 =	sld [smem:$0x3FB0]  }
0x2f: {  	lr =	sadd.s32 s0, s3;
	s0 =	sld [smem:$0x3FA7]  }
0x30: {  	s3 =	sld [smem:$0x3FAA]  }
0x31: {  	[smem:$0x3FB3] =	sst s10  }
0x32: {  	s10 =	sld [smem:$0x3FB1];
	_ =	sdelay $0x3  }
0x33: {  	p0 =	seq.s32 s10, $0x1;
	s10 =	sld [smem:$0x3FB3];
	_ =	sdelay $0x3  }
0x34: {  	[smem:$0x3FB3] =	sst s10  }
0x35: {  	s10 =	sld [smem:$0x3FB2];
	_ =	sdelay $0x3  }
0x36: {  	p1 =	seq.s32 s10, $0x1;
	s10 =	sld [smem:$0x3FB3];
	_ =	sdelay $0x3  }
0x37: {  	[smem:$0x3FB3] =	sst s10  }
0x38: {  	s10 =	sld [smem:$0x3FB4]  }
0x39: {  	_ = 	snop;
	(pc) =	sbr.ind lr, $3  }
0x3a: {  	_ = 	snop  }
0x3b: {  	_ = 	snop  }
0x3c: {  	p2 =	seq.s32 s10, $0x1;
	s10 =	sld [smem:$0x3FB3]  }
0x3d: {  	_ =	shalt  }
0x3e: {  	_ =	shalt  }
0x3f: {  	_ =	shalt  }
0x40: {  	_ =	shalt  }
0x41: {  	_ =	shalt  }
0x42: {  	_ =	shalt  }
0x43: {  	_ =	shalt  }
0x44: {  	_ =	shalt  }
0x45: {  	_ =	shalt  }
0x46: {  	_ =	shalt  }
0x47: {  	_ =	shalt  }
0x48: {  	_ =	shalt  }
0x49: {  	_ =	shalt  }
0x4a: {  	_ =	shalt  }
0x4b: {  	_ =	shalt  }
0x4c: {  	_ =	shalt  }
0x4d: {  	_ =	shalt  }
0x4e: {  	_ =	shalt  }
0x4f: {  	_ =	shalt  }
0x50: {  	_ =	shalt  }
0x51: {  	_ =	shalt  }
0x52: {  	_ =	shalt  }
0x53: {  	_ =	shalt  }
0x54: {  	_ =	shalt  }
0x55: {  	_ =	shalt  }
0x56: {  	_ =	shalt  }
0x57: {  	_ =	shalt  }
0x58: {  	_ =	shalt  }
0x59: {  	_ =	shalt  }
0x5a: {  	_ =	shalt  }
0x5b: {  	_ =	shalt  }
0x5c: {  	_ =	shalt  }
0x5d: {  	_ =	shalt  }
0x5e: {  	_ =	shalt  }
0x5f: {  	_ =	shalt  }
0x60: {  	_ =	shalt  }
0x61: {  	_ =	shalt  }
0x62: {  	_ =	shalt  }
0x63: {  	_ =	shalt  }
0x64: {  	_ =	shalt  }
0x65: {  	_ =	shalt  }
0x66: {  	_ =	shalt  }
0x67: {  	_ =	shalt  }
0x68: {  	_ =	shalt  }
0x69: {  	_ =	shalt  }
0x6a: {  	_ =	shalt  }
0x6b: {  	_ =	shalt  }
0x6c: {  	_ =	shalt  }
0x6d: {  	_ =	shalt  }
0x6e: {  	_ =	shalt  }
0x6f: {  	_ =	shalt  }
0x70: {  	_ =	shalt  }
0x71: {  	_ =	shalt  }
0x72: {  	_ =	shalt  }
0x73: {  	_ =	shalt  }
0x74: {  	_ =	shalt  }
0x75: {  	_ =	shalt  }
0x76: {  	_ =	shalt  }
0x77: {  	_ =	shalt  }
0x78: {  	_ =	shalt  }
0x79: {  	_ =	shalt  }
0x7a: {  	_ =	shalt  }
0x7b: {  	_ =	shalt  }
0x7c: {  	_ =	shalt  }
0x7d: {  	_ =	shalt  }
0x7e: {  	_ =	shalt  }
0x7f: {  	_ =	shalt  }
0x80: {  	_ =	shalt  }
0x81: {  	_ =	shalt  }
0x82: {  	_ =	shalt  }
0x83: {  	_ =	shalt  }
0x84: {  	_ =	shalt  }
0x85: {  	_ =	shalt  }
0x86: {  	_ =	shalt  }
0x87: {  	_ =	shalt  }
.Lfunc_end0:
.L_simem_size_0:
called_computation_lowered:
.L_overlay_start_0:
0x88: {  	s2 =	sld [smem:$0x3FD9]  }
0x89: {  	s3 =	sld [smem:$0x3FFE];
	_ =	sdelay $0x1  }
0x8a: {  	s1 =	srdreg.scid  }
0x8b: {  	s0 =	sand.u32 $0x1, s1  }
0x8c: {  	s17 =	sshll.u32 s0, $0xA;
	s2 =	sadd.s32 s3, s2  }
0x8d: {  	s2 =	sadd.s32 s2, s17  }
0x8e: {  	[smem:$0x3FBF] =	sst s2  }
0x8f: {  	_ = 	snop  }
0x90: {  	s2 =	sld [smem:$0x3FC9]  }
0x91: {  	s18 =	sld [smem:$0x3FD0];
	(tm) =	ssettm $0x1  }
0x92: {  	s4 =	sld [smem:$0x3FFB];
	_ =	sdelay $0x3  }
0x93: {  	_ =	strace s4  }
0x94: {  	s4 =	sld [smem:$0x3FFC];
	_ =	sdelay $0x3  }
0x95: {  	_ =	strace s4  }
0x96: {  	s4 =	sld [smem:$0x3FFD];
	_ =	sdelay $0x3  }
0x97: {  	_ =	strace s4  }
0x98: {  	_ =	strace $0x8FFFFFFF  }
0x99: {  	s19 =	sld [smem:$0x3FDB];
	_ =	sdelay $0x1  }
0x9a: {  	s5 =	simm.s32 $_scs_section_size  }
0x9b: {  	s6 =	simm.s32 $_size__tile_overlayer_lowered;
	s7 =	simm.s32 $_tile_overlayer_lowered  }
0x9c: {  	s22 =	simm.s32 $0x1BFF;
	s21 =	sshll.u32 s7, $0x1;
	s4 =	sadd.s32 s5, s19  }
0x9d: {  	s8 =	simm.s32 $0x0;
	s20 =	sshll.u32 s6, $0x1;
	s6 =	sadd.s32 s21, s4  }
0x9e: {  	[timem:s8], [sflag:s22] =	dma.local [hbm:s6], s20  }
0x9f: {  	_ =	swait.ge [sflag:s22], s20  }
0xa0: {  	s5 =	ssub.s32 $0x0, s20;
	[sflag:s22] =	ssyncset.done $0x0  }
0xa1: {  	[sflag:s22] =	ssyncadd.s32 s5;
	_ =	sdelay $0x1  }
0xa2: {  	s23 =	simm.s32 $0x1B8B  }
0xa3: {  	_ =	swait.ge [sflag:s23], $0x1  }
0xa4: {  	[sflag:s23] =	ssyncset.done $0x0  }
0xa5: {  	s25 =	simm.s32 $0x1B8E;
	s24 =	sld [smem:$0x3FFE];
	[sflag:s23] =	ssyncadd.s32 $0xFFFFFFFF  }
0xa6: {  	s26 =	simm.s32 $execute0_lowered;
	[smem:$0x3FD2] =	sst s25  }
0xa7: {  	s6 =	sshll.u32 s26, $0x1;
	_ =	strace $0x80000046;
	[dreg:$0x1] =	wrdreg $0xFFFFFFFF  }
0xa8: {  	s28 =	simm.s32 $_size_execute0_lowered;
	s4 =	sadd.s32 s4, s6;
	[dreg:$0x0] =	wrdreg $0x0  }
0xa9: {  	s6 =	sshll.u32 s28, $0x1;
	[dreg:$0x2] =	wrdreg s4  }
0xaa: {  	[dreg:$0x3] =	wrdreg s6  }
0xab: {  	[dreg:$0x4] =	wrdreg $0xC0  }
0xac: {  	_ =	task [dreg:s8], $0x5FFFF  }
0xad: {  	[dreg:$0x1] =	wrdreg $0xFFFFFFFF  }
0xae: {  	[dreg:$0x0] =	wrdreg $0x60  }
0xaf: {  	[dreg:$0x2] =	wrdreg s2  }
0xb0: {  	[dreg:$0x3] =	wrdreg s18  }
0xb1: {  	[dreg:$0x4] =	wrdreg s24  }
0xb2: {  	[dreg:$0x5] =	wrdreg $0x9  }
0xb3: {  	_ =	task.clear_ibuf [dreg:s8], $0x6FFFF;
	_ =	strace $0x90000046  }
0xb4: {  	s29 =	simm.s32 $0x9;
	_ =	strace $0x80000048  }
0xb5: {  	_ =	swait.ge [sflag:s29], $0x1  }
0xb6: {  	[sflag:s29] =	ssyncadd.s32 $0xFFFFFFFF  }
0xb7: {  	_ =	strace $0x90000048  }
0xb8: {  	_ =	sfence  }
0xb9: {  	s30 =	sld [smem:$0x0];
	_ =	sdelay $0x2  }
0xba: {  	s31 =	sshll.u32 s1, $0xD;
	s1 =	sshrl.u32 s1, $0x2  }
0xbb: {  	s3 =	sand.u32 $0x4000, s31;
	s1 =	sadd.s32 s1, s30  }
0xbc: {  	s0 =	sor.u32 s3, s0;
	s1 =	sshll.u32 s1, $0x11  }
0xbd: {  	s0 =	sor.u32 s1, s0  }
0xbe: {  	s0 =	sadd.s32 $0x8F2B, s0  }
0xbf: {  	[sflag:s0] =	ssyncadd.remote.s32 $0x1  }
0xc0: {  	_ =	sfence.sel $0xFFFF  }
0xc1: {  	[dreg:$0x0] =	wrdreg $0xFFFFFFFF;
	(pc) =	sbr.abs _section_cstart, $3  }
0xc2: {  	[dreg:$0x1] =	wrdreg $0xFFFFFFFF  }
0xc3: {  	_ =	task.clear_ibuf [dreg:s8], $0x2FFFF;
	_ =	strace $0x9FFFFFFF  }
0xc4: {  	(tm) =	ssettm $0x7FFFFFFF  }
0xc5: {  	_ =	shalt  }
tec
execute0_lowered:
.L_overlay_start_1:
0x0: {  	(tag) =	ssettag $0x1  }
0x1: {  	s2 =	rddreg [dreg:$0x0]  }
0x2: {  	s6 =	rddreg [dreg:$0x1]  }
0x3: {  	s4 =	rddreg [dreg:$0x2]  }
0x4: {  	s0 =	rddreg [dreg:$0x3]  }
0x5: {  	s1 =	stileid.u32;
	s7 =	srdreg.scid  }
0x6: {  	s3 =	simm.s32 $0x0;
	s11 =	simm.s32 $0x3;
	s5 =	smul.u32 $0x4E200, s1  }
0x7: {  	s12 =	simm.s32 $0x0;
	s7 =	sand.u32 $0x1, s7;
	s8 =	smul.u32 $0x4E20, s1  }
0x8: {  	[smem:$0x7FF] =	sst s3;
	s9 =	smul.u32 $0x2710, s7;
	s10 =	ssub.s32 $0x2, s7  }
0x9: {  	_ =	strace $0x80000047;
	s7 =	smul.u32 $0x27100, s7;
	s31 =	sshrl.u32 s10, $0x1  }
0xa: {  	s4 =	sadd.s32 s5, s4;
	s8 =	sadd.s32 s9, s8;
	s5 =	ssub.s32 s10, s31  }
0xb: {  	s7 =	sadd.s32 s7, s4;
	s9 =	simm.s32 $0x400;
	s10 =	simm.s32 $0x2  }
0xc: {  	s8 =	sshrl.u32 s8, $0x3;
	s4 =	smax.u32 s5, $0x1;
	s5 =	sadd.s32 $0x1A00, s7  }
0xd: {  	s7 =	simm.s32 $0x1;
	s6 =	sadd.s32 s8, s6;
	s8 =	simm.s32 $0x3E8  }
.LBB2_1:
0xe: {  	s13 =	sadd.s32 $0x0, s6  }
0xf: {  	[tilespmem:s3], [sflag:$0x1] =	stream.linear.gather [hbm4b:s13+s3], $0x3E8, $0x38;
	[tilespmem:$0x1F800] =	vst v63  }
0x10: {  	_ =	swait.ge [sflag:s7], $0x3E8  }
0x11: {  	[sflag:s7] =	ssyncset.done $0x0  }
0x12: {  	[sflag:s7] =	ssyncadd.s32 $0xFFFFFC18  }
0x13: {  	[tilespmem:s9], [sflag:$0x2] =	stream.indirect.gather [hbm4b:s2+s8], $0x80, s3, s8, $0xb8;
	[tilespmem:$0x1F800] =	vst v63  }
0x14: {  	_ =	swait.ge [sflag:s10], $0x1F400  }
0x15: {  	[sflag:s10] =	ssyncset.done $0x0  }
0x16: {  	[sflag:s10] =	ssyncadd.s32 $0xFFFE0C00  }
0x17: {  	[hbm4b:s5+s3] =	stream.linear.scatter [tilespmem:s9], [sflag:$0x3], $0x1F400, $0x38;
	[tilespmem:$0x1F800] =	vst v63  }
0x18: {  	s14 =	simm.s32 $0x7D;
	_ =	swait.ge [sflag:s11], $0x1F400  }
0x19: {  	s15 =	simm.s32 $0xFA;
	s13 =	sadd.s32 $0x3E80, s5;
	[sflag:s11] =	ssyncset.done $0x0  }
.LBB2_2:
0x1a: {  	s16 =	sadd.s32 s14, s6  }
0x1b: {  	[sflag:s11] =	ssyncadd.s32 $0xFFFE0C00;
	s14 =	smov.u32 s15;
	s17 =	sadd.s32 $0x7D, s15  }
0x1c: {  	[tilespmem:s3], [sflag:$0x1] =	stream.linear.gather [hbm4b:s16+s3], $0x3E8, $0x38;
	[tilespmem:$0x1F800] =	vst v63  }
0x1d: {  	p0 =	sne.s32 s15, $0x465;
	_ =	swait.ge [sflag:s7], $0x3E8  }
0x1e: {  	[sflag:s7] =	ssyncset.done $0x0  }
0x1f: {  	[sflag:s7] =	ssyncadd.s32 $0xFFFFFC18  }
0x20: {  	[tilespmem:s9], [sflag:$0x2] =	stream.indirect.gather [hbm4b:s2+s8], $0x80, s3, s8, $0xb8;
	[tilespmem:$0x1F800] =	vst v63  }
0x21: {  	_ =	swait.ge [sflag:s10], $0x1F400  }
.Ltmp0:
0x22: {  	[sflag:s10] =	ssyncset.done $0x0;
	(pc) =	sbr.rel @p0 .LBB2_2-.Ltmp0, $4  }
0x23: {  	[sflag:s10] =	ssyncadd.s32 $0xFFFE0C00  }
0x24: {  	[hbm4b:s13+s3] =	stream.linear.scatter [tilespmem:s9], [sflag:$0x3], $0x1F400, $0x38;
	[tilespmem:$0x1F800] =	vst v63  }
0x25: {  	_ =	swait.ge [sflag:s11], $0x1F400  }
0x26: {  	s15 =	smov.u32 s17;
	s13 =	sadd.s32 $0x3E80, s13;
	[sflag:s11] =	ssyncset.done $0x0  }
0x27: {  	s14 =	sadd.s32 s14, s6;
	[sflag:s11] =	ssyncadd.s32 $0xFFFE0C00  }
0x28: {  	[tilespmem:s3], [sflag:$0x1] =	stream.linear.gather [hbm4b:s14+s3], $0x3E8, $0x38;
	[tilespmem:$0x1F800] =	vst v63  }
0x29: {  	_ =	swait.ge [sflag:s7], $0x3E8  }
0x2a: {  	[sflag:s7] =	ssyncset.done $0x0  }
0x2b: {  	[sflag:s7] =	ssyncadd.s32 $0xFFFFFC18  }
0x2c: {  	[tilespmem:s9], [sflag:$0x2] =	stream.indirect.gather [hbm4b:s2+s8], $0x80, s3, s8, $0xb8;
	[tilespmem:$0x1F800] =	vst v63  }
0x2d: {  	s12 =	sadd.s32 $0x1, s12;
	_ =	swait.ge [sflag:s10], $0x1F400  }
0x2e: {  	p0 =	sne.s32 s12, s4;
	[sflag:s10] =	ssyncset.done $0x0  }
.Ltmp1:
0x2f: {  	[sflag:s10] =	ssyncadd.s32 $0xFFFE0C00;
	(pc) =	sbr.rel @p0 .LBB2_1-.Ltmp1, $4  }
0x30: {  	[hbm4b:s13+s3] =	stream.linear.scatter [tilespmem:s9], [sflag:$0x3], $0x1F400, $0x38;
	[tilespmem:$0x1F800] =	vst v63  }
0x31: {  	_ =	swait.ge [sflag:s11], $0x1F400  }
0x32: {  	[sflag:s11] =	ssyncset.done $0x0  }
0x33: {  	[sflag:s11] =	ssyncadd.s32 $0xFFFE0C00  }
0x34: {  	_ =	sfence.sel $0x180000  }
0x35: {  	[bflag:$0x0] =	sbarrier.arrive $0xFFFF  }
0x36: {  	p0 =	sne.s32 s1, $0x0;
	_ =	strace $0x90000047  }
0x37: {  	s0 =	sadd.s32 @!p0 $0x100000, s0;
	[bflag:$0x2] =	sbarrier.arrive $0xFFFF  }
0x38: {  	[sflag:s0] =	ssyncadd.tile.s32 @!p0 $0x1;
	_ =	shalt  }
.Lfunc_end2:
_tile_overlayer_lowered:
.L_overlay_start_2:
0x39: {  	(tag) =	ssettag $0x2  }
0x3a: {  	s0 =	rddreg [dreg:$0x0];
	s2 =	stileid.u32  }
0x3b: {  	s1 =	rddreg [dreg:$0x1];
	p0 =	sne.s32 s2, $0x0  }
0x3c: {  	s3 =	rddreg [dreg:$0x2];
	[bflag:$0x3] =	sbarrier.arrive $0xFFFF;
	s2 =	simm.s32 @!p0 $0x1C04  }
0x3d: {  	[timem:s3], [sflag:s2] =	dma.local @!p0 [hbm:s0], s1  }
0x3e: {  	s0 =	simm.s32 @!p0 $0x4  }
0x3f: {  	_ =	swait.ge @!p0 [sflag:s0], s1  }
0x40: {  	s1 =	ssub.s32 @!p0 $0x0, s1;
	[sflag:s0] =	ssyncset.done @!p0 $0x0  }
0x41: {  	[sflag:s0] =	ssyncadd.s32 @!p0 s1  }
0x42: {  	[bflag:$0x3] =	sbarrier.arrive $0xFFFF  }
0x43: {  	_ =	shalt  }

</sc_bundles>
